<compile_context>
chip_gen: v7x
topology: tpu7x:2x2x1
jax: 0.10.2.dev20260603
libtpu: 0.0.44.dev20260713+nightly
codegen_flags: <defaults>
</compile_context>

<pallas_src>
import functools

import jax
import jax.numpy as jnp
from jax import lax
from jax.experimental import pallas as pl
from jax.experimental.pallas import tpu as pltpu
from jax.experimental.pallas import tpu_sc as plsc

_NUM_FEATURES = 26
_CATEGORY_NUM = 32
_BATCH = 16384

_L = 16
_NW = 32
_TOTAL = _BATCH * _NUM_FEATURES
_PER_W = _TOTAL // _NW
_VECS = _PER_W // _L
_TABLE = _NUM_FEATURES * _CATEGORY_NUM
_BLK = 128
_BW = _BATCH // _NW
_LB = _BW // _BLK


def _body(idx_hbm, bias_hbm, mean_hbm, norm_hbm, out_hbm,
          idx_v, out_v, bias_v, table_v, mean_v, norm_v, sem):
    wid = lax.axis_index("s") * 2 + lax.axis_index("c")
    b0 = wid * _BW

    idx_cp = pltpu.async_copy(
        idx_hbm.at[:, pl.ds(b0, _BW)], idx_v, sem)

    pltpu.sync_copy(bias_hbm, bias_v)
    pltpu.sync_copy(mean_hbm, mean_v.at[pl.ds(0, _NUM_FEATURES)])
    pltpu.sync_copy(norm_hbm, norm_v.at[pl.ds(0, _NUM_FEATURES)])

    lanes = jax.lax.iota(jnp.int32, _L)

    def fold(j, _):
        p = lanes + j * _L
        f = jax.lax.shift_right_logical(p, 5)
        m = plsc.load_gather(mean_v, [f])
        n = plsc.load_gather(norm_v, [f])
        b = bias_v[pl.ds(j * _L, _L)]
        table_v[pl.ds(j * _L, _L)] = (b - m) / n
        return _

    lax.fori_loop(0, _TABLE // _L, fold, 0, unroll=4)

    idx_cp.wait()

    @plsc.parallel_loop(0, _VECS, 1, unroll=8)
    def _(j):
        f = jax.lax.shift_right_logical(j, 5)
        cv = jax.lax.rem(j, 32)
        g = idx_v[f, pl.ds(cv * _L, _L)] + jax.lax.shift_left(f, 5)
        out_v[jax.lax.shift_right_logical(f, 3),
              jax.lax.shift_right_logical(cv, 3),
              jax.lax.rem(f, 8),
              pl.ds(jax.lax.rem(cv, 8) * _L, _L)] = \
            plsc.load_gather(table_v, [g])

    pltpu.sync_copy(out_v, out_hbm.at[:, pl.ds(wid * _LB, _LB)])


@jax.jit
def _run(idx_2d, bias_flat, mean, norm):
    mesh = plsc.VectorSubcoreMesh(core_axis_name="c", subcore_axis_name="s")
    kern = functools.partial(
        pl.kernel,
        mesh=mesh,
        compiler_params=pltpu.CompilerParams(
            needs_layout_passes=False, use_tc_tiling_on_sc=True),
        out_type=jax.ShapeDtypeStruct((4, _BLK, 8, _BLK), jnp.float32),
        scratch_types=[
            pltpu.VMEM((_NUM_FEATURES, _BW), jnp.int32),
            pltpu.VMEM((4, _LB, 8, _BLK), jnp.float32),
            pltpu.VMEM((_TABLE,), jnp.float32),
            pltpu.VMEM((_TABLE,), jnp.float32),
            pltpu.VMEM((128,), jnp.float32),
            pltpu.VMEM((128,), jnp.float32),
            pltpu.SemaphoreType.DMA,
        ],
    )(_body)
    return kern(idx_2d, bias_flat, mean, norm)


def kernel(inputs, bias, moving_mean, moving_norm):
    idx_2d = inputs.T
    bias_flat = bias.reshape(_TABLE)
    out4d = _run(idx_2d, bias_flat, moving_mean, moving_norm)
    out = out4d.transpose(1, 3, 0, 2).reshape(_BATCH, 32)[:, :_NUM_FEATURES]
    return out

# --- scband reference (transcript-rebuilt; emitter-appended) ---
"""Pipeline reference for scband-categ-net-block-4312147165695 (READ-ONLY COPY).

The authoritative reference and input builder live on the scoring server;
editing this copy changes nothing except your own understanding.
"""

import jax, jax.numpy as jnp
import numpy as np

NUM_FEATURES = 26
CATEGORY_NUM = 32
BATCH = 16384

def setup_inputs(seed: int = 0) -> dict:
    key = jax.random.key(seed)
    k1, k2 = jax.random.split(key)
    inputs = jax.random.randint(k1, (BATCH, NUM_FEATURES), 0, CATEGORY_NUM, dtype=jnp.int32)
    bias = jax.random.normal(k2, (NUM_FEATURES, CATEGORY_NUM), dtype=jnp.float32)
    moving_mean = jnp.zeros((NUM_FEATURES,), dtype=jnp.float32)
    moving_norm = jnp.ones((NUM_FEATURES,), dtype=jnp.float32)
    return {"inputs": inputs, "bias": bias, "moving_mean": moving_mean, "moving_norm": moving_norm}

def reference(inputs, bias, moving_mean, moving_norm):
    # Each CategNet i: one_hot(inputs[:, i], C) @ categ_bias_i  (bias_i is [C, 1])
    # Stacked across the 26 features -> [B, F]. Eval path (training=False):
    # normalize with moving_mean / moving_norm per feature (bn_flag=True).
    onehot = jax.nn.one_hot(inputs, CATEGORY_NUM, dtype=jnp.float32)  # [B, F, C]
    out_original = jnp.einsum('bfc,fc->bf', onehot, bias)             # [B, F]
    output = (out_original - moving_mean[None, :]) / moving_norm[None, :]
    return output

if __name__ == "__main__":
    import jax
    _d = setup_inputs()
    print(jax.jit(kernel)(*tuple(_d.values())))

</pallas_src>

<mosaic_0001>
#map = affine_map<(d0, d1) -> (0, 0)>
#map1 = affine_map<(d0, d1) -> (0)>
#map2 = affine_map<(d0, d1) -> (0, 0, 0, 0)>
module attributes {stable_mosaic.version = 14 : i64} {
  func.func @_body(%arg0: i32, %arg1: i32, %arg2: memref<26x16384xi32, #tpu.memory_space<hbm>>, %arg3: memref<832xf32, #tpu.memory_space<hbm>>, %arg4: memref<26xf32, #tpu.memory_space<hbm>>, %arg5: memref<26xf32, #tpu.memory_space<hbm>>, %arg6: memref<4x128x8x128xf32, #tpu.memory_space<hbm>>, %arg7: memref<26x512xi32, #tpu.memory_space<vmem>>, %arg8: memref<4x4x8x128xf32, #tpu.memory_space<vmem>>, %arg9: memref<832xf32, #tpu.memory_space<vmem>>, %arg10: memref<832xf32, #tpu.memory_space<vmem>>, %arg11: memref<128xf32, #tpu.memory_space<vmem>>, %arg12: memref<128xf32, #tpu.memory_space<vmem>>, %arg13: memref<!tpu.dma_semaphore, #tpu.memory_space<semaphore_mem>>) attributes {dimension_semantics = [#tpu.dimension_semantics<core_parallel>, #tpu.dimension_semantics<subcore_parallel>], iteration_bounds = array<i64: 2, 16>, scalar_prefetch = 0 : i64, scratch_operands = 7 : i64, tpu.core_type = #tpu.core_type<sc_vector_subcore>, window_params = [{transform_indices = #map}, {transform_indices = #map1}, {transform_indices = #map1}, {transform_indices = #map1}, {transform_indices = #map2}]} {
    %mul3A = arith.constant 2 : i32
    %mul3A_0 = arith.muli %arg1, %mul3A : i32
    %add3A = arith.addi %mul3A_0, %arg0 : i32
    %mul3A_1 = arith.constant 512 : i32
    %mul3A_2 = arith.muli %add3A, %mul3A_1 : i32
    %dma_start3A = arith.constant 0 : i32
    %dma_start3A_3 = tpu.memref_slice %arg2[%dma_start3A, %mul3A_2] : memref<26x16384xi32, #tpu.memory_space<hbm>> -> memref<26x512xi32, #tpu.memory_space<hbm>>
    %dma_start3A_4 = arith.constant 0 : i32
    %dma_start3A_5 = tpu.memref_slice %arg2[%dma_start3A_4, %mul3A_2] : memref<26x16384xi32, #tpu.memory_space<hbm>> -> memref<26x512xi32, #tpu.memory_space<hbm>>
    tpu.enqueue_dma source(%dma_start3A_5 : memref<26x512xi32, #tpu.memory_space<hbm>>) target(%arg7 : memref<26x512xi32, #tpu.memory_space<vmem>>) target_semaphore(%arg13 : memref<!tpu.dma_semaphore, #tpu.memory_space<semaphore_mem>>)
    "tpu.region"() ({
      %run_scoped3A = tpu.sem_alloc : memref<!tpu.dma_semaphore, #tpu.memory_space<semaphore_mem>>
      tpu.enqueue_dma source(%arg3 : memref<832xf32, #tpu.memory_space<hbm>>) target(%arg9 : memref<832xf32, #tpu.memory_space<vmem>>) target_semaphore(%run_scoped3A : memref<!tpu.dma_semaphore, #tpu.memory_space<semaphore_mem>>)
      tpu.wait_dma2 semaphore(%run_scoped3A : memref<!tpu.dma_semaphore, #tpu.memory_space<semaphore_mem>>) src(%arg3 : memref<832xf32, #tpu.memory_space<hbm>>) dst(%arg9 : memref<832xf32, #tpu.memory_space<vmem>>)
      tpu.yield
    }) : () -> ()
    "tpu.region"() ({
      %run_scoped3A = tpu.sem_alloc : memref<!tpu.dma_semaphore, #tpu.memory_space<semaphore_mem>>
      %dma_start3A_18 = arith.constant 0 : i32
      %dma_start3A_19 = tpu.memref_slice %arg11[%dma_start3A_18] : memref<128xf32, #tpu.memory_space<vmem>> -> memref<26xf32, #tpu.memory_space<vmem>>
      %dma_start3A_20 = arith.constant 0 : i32
      %dma_start3A_21 = tpu.memref_slice %arg11[%dma_start3A_20] : memref<128xf32, #tpu.memory_space<vmem>> -> memref<26xf32, #tpu.memory_space<vmem>>
      tpu.enqueue_dma source(%arg4 : memref<26xf32, #tpu.memory_space<hbm>>) target(%dma_start3A_21 : memref<26xf32, #tpu.memory_space<vmem>>) target_semaphore(%run_scoped3A : memref<!tpu.dma_semaphore, #tpu.memory_space<semaphore_mem>>)
      %dma_wait3A_22 = arith.constant 0 : i32
      %dma_wait3A_23 = tpu.memref_slice %arg11[%dma_wait3A_22] : memref<128xf32, #tpu.memory_space<vmem>> -> memref<26xf32, #tpu.memory_space<vmem>>
      %dma_wait3A_24 = arith.constant 0 : i32
      %dma_wait3A_25 = tpu.memref_slice %arg11[%dma_wait3A_24] : memref<128xf32, #tpu.memory_space<vmem>> -> memref<26xf32, #tpu.memory_space<vmem>>
      tpu.wait_dma2 semaphore(%run_scoped3A : memref<!tpu.dma_semaphore, #tpu.memory_space<semaphore_mem>>) src(%arg4 : memref<26xf32, #tpu.memory_space<hbm>>) dst(%dma_wait3A_25 : memref<26xf32, #tpu.memory_space<vmem>>)
      tpu.yield
    }) : () -> ()
    "tpu.region"() ({
      %run_scoped3A = tpu.sem_alloc : memref<!tpu.dma_semaphore, #tpu.memory_space<semaphore_mem>>
      %dma_start3A_18 = arith.constant 0 : i32
      %dma_start3A_19 = tpu.memref_slice %arg12[%dma_start3A_18] : memref<128xf32, #tpu.memory_space<vmem>> -> memref<26xf32, #tpu.memory_space<vmem>>
      %dma_start3A_20 = arith.constant 0 : i32
      %dma_start3A_21 = tpu.memref_slice %arg12[%dma_start3A_20] : memref<128xf32, #tpu.memory_space<vmem>> -> memref<26xf32, #tpu.memory_space<vmem>>
      tpu.enqueue_dma source(%arg5 : memref<26xf32, #tpu.memory_space<hbm>>) target(%dma_start3A_21 : memref<26xf32, #tpu.memory_space<vmem>>) target_semaphore(%run_scoped3A : memref<!tpu.dma_semaphore, #tpu.memory_space<semaphore_mem>>)
      %dma_wait3A_22 = arith.constant 0 : i32
      %dma_wait3A_23 = tpu.memref_slice %arg12[%dma_wait3A_22] : memref<128xf32, #tpu.memory_space<vmem>> -> memref<26xf32, #tpu.memory_space<vmem>>
      %dma_wait3A_24 = arith.constant 0 : i32
      %dma_wait3A_25 = tpu.memref_slice %arg12[%dma_wait3A_24] : memref<128xf32, #tpu.memory_space<vmem>> -> memref<26xf32, #tpu.memory_space<vmem>>
      tpu.wait_dma2 semaphore(%run_scoped3A : memref<!tpu.dma_semaphore, #tpu.memory_space<semaphore_mem>>) src(%arg5 : memref<26xf32, #tpu.memory_space<hbm>>) dst(%dma_wait3A_25 : memref<26xf32, #tpu.memory_space<vmem>>)
      tpu.yield
    }) : () -> ()
    %iota3A = tpu.iota {dimensions = array<i32: 0>} : vector<16xi32>
    %scan3A = arith.constant 0 : i32
    %scan3A_6 = arith.constant 0 : i32
    %scan3A_7 = arith.constant 52 : i32
    %scan3A_8 = arith.addi %scan3A_6, %scan3A_7 : i32
    %scan3A_9 = arith.constant 4 : i32
    scf.for %scan3A_18 = %scan3A_6 to %scan3A_8 step %scan3A_9  : i32 {
      %mul3A_19 = arith.constant 16 : i32
      %mul3A_20 = arith.muli %scan3A_18, %mul3A_19 : i32
      %add3A_21 = vector.broadcast %mul3A_20 : i32 to vector<16xi32>
      %add3A_22 = arith.addi %iota3A, %add3A_21 : vector<16xi32>
      %shift_right_logical3A = arith.constant 5 : i32
      %shift_right_logical3A_23 = vector.broadcast %shift_right_logical3A : i32 to vector<16xi32>
      %shift_right_logical3A_24 = arith.shrui %add3A_22, %shift_right_logical3A_23 : vector<16xi32>
      %gather3A = tpu.vector_load_idx %arg11[%shift_right_logical3A_24] : memref<128xf32, #tpu.memory_space<vmem>>[vector<16xi32>], vector<16xf32>,
      %gather3A_25 = tpu.vector_load_idx %arg12[%shift_right_logical3A_24] : memref<128xf32, #tpu.memory_space<vmem>>[vector<16xi32>], vector<16xf32>,
      %mul3A_26 = arith.constant 16 : i32
      %mul3A_27 = arith.muli %scan3A_18, %mul3A_26 : i32
      %get3A = arith.index_cast %mul3A_27 : i32 to index
      %get3A_28 = tpu.vector_load %arg9[%get3A] {strides = array<i32>} : memref<832xf32, #tpu.memory_space<vmem>>, vector<16xf32>,
      %sub3A = arith.subf %get3A_28, %gather3A : vector<16xf32>
      %div3A = arith.divf %sub3A, %gather3A_25 : vector<16xf32>
      %mul3A_29 = arith.constant 16 : i32
      %mul3A_30 = arith.muli %scan3A_18, %mul3A_29 : i32
      %swap3A = arith.index_cast %mul3A_30 : i32 to index
      %swap3A_31 = tpu.vector_load %arg10[%swap3A] {strides = array<i32>} : memref<832xf32, #tpu.memory_space<vmem>>, vector<16xf32>,
      tpu.vector_store %arg10[%swap3A], %div3A {strides = array<i32>} : memref<832xf32, #tpu.memory_space<vmem>>, vector<16xf32>,
      %scan3A_32 = arith.constant 1 : i32
      %scan3A_33 = arith.addi %scan3A_18, %scan3A_32 : i32
      %mul3A_34 = arith.constant 16 : i32
      %mul3A_35 = arith.muli %scan3A_33, %mul3A_34 : i32
      %add3A_36 = vector.broadcast %mul3A_35 : i32 to vector<16xi32>
      %add3A_37 = arith.addi %iota3A, %add3A_36 : vector<16xi32>
      %shift_right_logical3A_38 = arith.constant 5 : i32
      %shift_right_logical3A_39 = vector.broadcast %shift_right_logical3A_38 : i32 to vector<16xi32>
      %shift_right_logical3A_40 = arith.shrui %add3A_37, %shift_right_logical3A_39 : vector<16xi32>
      %gather3A_41 = tpu.vector_load_idx %arg11[%shift_right_logical3A_40] : memref<128xf32, #tpu.memory_space<vmem>>[vector<16xi32>], vector<16xf32>,
      %gather3A_42 = tpu.vector_load_idx %arg12[%shift_right_logical3A_40] : memref<128xf32, #tpu.memory_space<vmem>>[vector<16xi32>], vector<16xf32>,
      %mul3A_43 = arith.constant 16 : i32
      %mul3A_44 = arith.muli %scan3A_33, %mul3A_43 : i32
      %get3A_45 = arith.index_cast %mul3A_44 : i32 to index
      %get3A_46 = tpu.vector_load %arg9[%get3A_45] {strides = array<i32>} : memref<832xf32, #tpu.memory_space<vmem>>, vector<16xf32>,
      %sub3A_47 = arith.subf %get3A_46, %gather3A_41 : vector<16xf32>
      %div3A_48 = arith.divf %sub3A_47, %gather3A_42 : vector<16xf32>
      %mul3A_49 = arith.constant 16 : i32
      %mul3A_50 = arith.muli %scan3A_33, %mul3A_49 : i32
      %swap3A_51 = arith.index_cast %mul3A_50 : i32 to index
      %swap3A_52 = tpu.vector_load %arg10[%swap3A_51] {strides = array<i32>} : memref<832xf32, #tpu.memory_space<vmem>>, vector<16xf32>,
      tpu.vector_store %arg10[%swap3A_51], %div3A_48 {strides = array<i32>} : memref<832xf32, #tpu.memory_space<vmem>>, vector<16xf32>,
      %scan3A_53 = arith.constant 2 : i32
      %scan3A_54 = arith.addi %scan3A_18, %scan3A_53 : i32
      %mul3A_55 = arith.constant 16 : i32
      %mul3A_56 = arith.muli %scan3A_54, %mul3A_55 : i32
      %add3A_57 = vector.broadcast %mul3A_56 : i32 to vector<16xi32>
      %add3A_58 = arith.addi %iota3A, %add3A_57 : vector<16xi32>
      %shift_right_logical3A_59 = arith.constant 5 : i32
      %shift_right_logical3A_60 = vector.broadcast %shift_right_logical3A_59 : i32 to vector<16xi32>
      %shift_right_logical3A_61 = arith.shrui %add3A_58, %shift_right_logical3A_60 : vector<16xi32>
      %gather3A_62 = tpu.vector_load_idx %arg11[%shift_right_logical3A_61] : memref<128xf32, #tpu.memory_space<vmem>>[vector<16xi32>], vector<16xf32>,
      %gather3A_63 = tpu.vector_load_idx %arg12[%shift_right_logical3A_61] : memref<128xf32, #tpu.memory_space<vmem>>[vector<16xi32>], vector<16xf32>,
      %mul3A_64 = arith.constant 16 : i32
      %mul3A_65 = arith.muli %scan3A_54, %mul3A_64 : i32
      %get3A_66 = arith.index_cast %mul3A_65 : i32 to index
      %get3A_67 = tpu.vector_load %arg9[%get3A_66] {strides = array<i32>} : memref<832xf32, #tpu.memory_space<vmem>>, vector<16xf32>,
      %sub3A_68 = arith.subf %get3A_67, %gather3A_62 : vector<16xf32>
      %div3A_69 = arith.divf %sub3A_68, %gather3A_63 : vector<16xf32>
      %mul3A_70 = arith.constant 16 : i32
      %mul3A_71 = arith.muli %scan3A_54, %mul3A_70 : i32
      %swap3A_72 = arith.index_cast %mul3A_71 : i32 to index
      %swap3A_73 = tpu.vector_load %arg10[%swap3A_72] {strides = array<i32>} : memref<832xf32, #tpu.memory_space<vmem>>, vector<16xf32>,
      tpu.vector_store %arg10[%swap3A_72], %div3A_69 {strides = array<i32>} : memref<832xf32, #tpu.memory_space<vmem>>, vector<16xf32>,
      %scan3A_74 = arith.constant 3 : i32
      %scan3A_75 = arith.addi %scan3A_18, %scan3A_74 : i32
      %mul3A_76 = arith.constant 16 : i32
      %mul3A_77 = arith.muli %scan3A_75, %mul3A_76 : i32
      %add3A_78 = vector.broadcast %mul3A_77 : i32 to vector<16xi32>
      %add3A_79 = arith.addi %iota3A, %add3A_78 : vector<16xi32>
      %shift_right_logical3A_80 = arith.constant 5 : i32
      %shift_right_logical3A_81 = vector.broadcast %shift_right_logical3A_80 : i32 to vector<16xi32>
      %shift_right_logical3A_82 = arith.shrui %add3A_79, %shift_right_logical3A_81 : vector<16xi32>
      %gather3A_83 = tpu.vector_load_idx %arg11[%shift_right_logical3A_82] : memref<128xf32, #tpu.memory_space<vmem>>[vector<16xi32>], vector<16xf32>,
      %gather3A_84 = tpu.vector_load_idx %arg12[%shift_right_logical3A_82] : memref<128xf32, #tpu.memory_space<vmem>>[vector<16xi32>], vector<16xf32>,
      %mul3A_85 = arith.constant 16 : i32
      %mul3A_86 = arith.muli %scan3A_75, %mul3A_85 : i32
      %get3A_87 = arith.index_cast %mul3A_86 : i32 to index
      %get3A_88 = tpu.vector_load %arg9[%get3A_87] {strides = array<i32>} : memref<832xf32, #tpu.memory_space<vmem>>, vector<16xf32>,
      %sub3A_89 = arith.subf %get3A_88, %gather3A_83 : vector<16xf32>
      %div3A_90 = arith.divf %sub3A_89, %gather3A_84 : vector<16xf32>
      %mul3A_91 = arith.constant 16 : i32
      %mul3A_92 = arith.muli %scan3A_75, %mul3A_91 : i32
      %swap3A_93 = arith.index_cast %mul3A_92 : i32 to index
      %swap3A_94 = tpu.vector_load %arg10[%swap3A_93] {strides = array<i32>} : memref<832xf32, #tpu.memory_space<vmem>>, vector<16xf32>,
      tpu.vector_store %arg10[%swap3A_93], %div3A_90 {strides = array<i32>} : memref<832xf32, #tpu.memory_space<vmem>>, vector<16xf32>,
    }
    %scan3A_10 = arith.constant 52 : i32
    %dma_wait3A = arith.constant 0 : i32
    %dma_wait3A_11 = tpu.memref_slice %arg2[%dma_wait3A, %mul3A_2] : memref<26x16384xi32, #tpu.memory_space<hbm>> -> memref<26x512xi32, #tpu.memory_space<hbm>>
    %dma_wait3A_12 = arith.constant 0 : i32
    %dma_wait3A_13 = tpu.memref_slice %arg2[%dma_wait3A_12, %mul3A_2] : memref<26x16384xi32, #tpu.memory_space<hbm>> -> memref<26x512xi32, #tpu.memory_space<hbm>>
    tpu.wait_dma2 semaphore(%arg13 : memref<!tpu.dma_semaphore, #tpu.memory_space<semaphore_mem>>) src(%dma_wait3A_13 : memref<26x512xi32, #tpu.memory_space<hbm>>) dst(%arg7 : memref<26x512xi32, #tpu.memory_space<vmem>>)
    %parallel_loop3A = arith.constant 0 : i32
    %parallel_loop3A_14 = arith.constant 832 : i32
    %parallel_loop3A_15 = arith.constant 1 : i32
    scf.for %parallel_loop3A_18 = %parallel_loop3A to %parallel_loop3A_14 step %parallel_loop3A_15  : i32 {
      %parallel_loop3A_19 = arith.constant 5 : i32
      %parallel_loop3A_20 = arith.shrui %parallel_loop3A_18, %parallel_loop3A_19 : i32
      %parallel_loop3A_21 = arith.constant 32 : i32
      %parallel_loop3A_22 = arith.remsi %parallel_loop3A_18, %parallel_loop3A_21 : i32
      %parallel_loop3A_23 = arith.constant 16 : i32
      %parallel_loop3A_24 = arith.muli %parallel_loop3A_22, %parallel_loop3A_23 : i32
      %parallel_loop3A_25 = arith.index_cast %parallel_loop3A_20 : i32 to index
      %parallel_loop3A_26 = arith.index_cast %parallel_loop3A_24 : i32 to index
      %parallel_loop3A_27 = tpu.vector_load %arg7[%parallel_loop3A_25, %parallel_loop3A_26] {strides = array<i32>} : memref<26x512xi32, #tpu.memory_space<vmem>>, vector<16xi32>,
      %parallel_loop3A_28 = arith.constant 5 : i32
      %parallel_loop3A_29 = arith.shli %parallel_loop3A_20, %parallel_loop3A_28 : i32
      %parallel_loop3A_30 = vector.broadcast %parallel_loop3A_29 : i32 to vector<16xi32>
      %parallel_loop3A_31 = arith.addi %parallel_loop3A_27, %parallel_loop3A_30 : vector<16xi32>
      %parallel_loop3A_32 = tpu.vector_load_idx %arg10[%parallel_loop3A_31] : memref<832xf32, #tpu.memory_space<vmem>>[vector<16xi32>], vector<16xf32>,
      %parallel_loop3A_33 = arith.constant 3 : i32
      %parallel_loop3A_34 = arith.shrui %parallel_loop3A_20, %parallel_loop3A_33 : i32
      %parallel_loop3A_35 = arith.constant 3 : i32
      %parallel_loop3A_36 = arith.shrui %parallel_loop3A_22, %parallel_loop3A_35 : i32
      %parallel_loop3A_37 = arith.constant 8 : i32
      %parallel_loop3A_38 = arith.remsi %parallel_loop3A_20, %parallel_loop3A_37 : i32
      %parallel_loop3A_39 = arith.constant 8 : i32
      %parallel_loop3A_40 = arith.remsi %parallel_loop3A_22, %parallel_loop3A_39 : i32
      %parallel_loop3A_41 = arith.constant 16 : i32
      %parallel_loop3A_42 = arith.muli %parallel_loop3A_40, %parallel_loop3A_41 : i32
      %parallel_loop3A_43 = arith.index_cast %parallel_loop3A_34 : i32 to index
      %parallel_loop3A_44 = arith.index_cast %parallel_loop3A_36 : i32 to index
      %parallel_loop3A_45 = arith.index_cast %parallel_loop3A_38 : i32 to index
      %parallel_loop3A_46 = arith.index_cast %parallel_loop3A_42 : i32 to index
      %parallel_loop3A_47 = tpu.vector_load %arg8[%parallel_loop3A_43, %parallel_loop3A_44, %parallel_loop3A_45, %parallel_loop3A_46] {strides = array<i32>} : memref<4x4x8x128xf32, #tpu.memory_space<vmem>>, vector<16xf32>,
      tpu.vector_store %arg8[%parallel_loop3A_43, %parallel_loop3A_44, %parallel_loop3A_45, %parallel_loop3A_46], %parallel_loop3A_32 {strides = array<i32>} : memref<4x4x8x128xf32, #tpu.memory_space<vmem>>, vector<16xf32>,
    } {sc.loop_unroll_factor = 8 : i64, sc.parallel_access}
    %mul3A_16 = arith.constant 4 : i32
    %mul3A_17 = arith.muli %add3A, %mul3A_16 : i32
    "tpu.region"() ({
      %run_scoped3A = tpu.sem_alloc : memref<!tpu.dma_semaphore, #tpu.memory_space<semaphore_mem>>
      %dma_start3A_18 = arith.constant 0 : i32
      %dma_start3A_19 = arith.constant 0 : i32
      %dma_start3A_20 = arith.constant 0 : i32
      %dma_start3A_21 = tpu.memref_slice %arg6[%dma_start3A_18, %mul3A_17, %dma_start3A_19, %dma_start3A_20] : memref<4x128x8x128xf32, #tpu.memory_space<hbm>> -> memref<4x4x8x128xf32, #tpu.memory_space<hbm>>
      %dma_start3A_22 = arith.constant 0 : i32
      %dma_start3A_23 = arith.constant 0 : i32
      %dma_start3A_24 = arith.constant 0 : i32
      %dma_start3A_25 = tpu.memref_slice %arg6[%dma_start3A_22, %mul3A_17, %dma_start3A_23, %dma_start3A_24] : memref<4x128x8x128xf32, #tpu.memory_space<hbm>> -> memref<4x4x8x128xf32, #tpu.memory_space<hbm>>
      tpu.enqueue_dma source(%arg8 : memref<4x4x8x128xf32, #tpu.memory_space<vmem>>) target(%dma_start3A_25 : memref<4x4x8x128xf32, #tpu.memory_space<hbm>>) target_semaphore(%run_scoped3A : memref<!tpu.dma_semaphore, #tpu.memory_space<semaphore_mem>>)
      %dma_wait3A_26 = arith.constant 0 : i32
      %dma_wait3A_27 = arith.constant 0 : i32
      %dma_wait3A_28 = arith.constant 0 : i32
      %dma_wait3A_29 = tpu.memref_slice %arg6[%dma_wait3A_26, %mul3A_17, %dma_wait3A_27, %dma_wait3A_28] : memref<4x128x8x128xf32, #tpu.memory_space<hbm>> -> memref<4x4x8x128xf32, #tpu.memory_space<hbm>>
      %dma_wait3A_30 = arith.constant 0 : i32
      %dma_wait3A_31 = arith.constant 0 : i32
      %dma_wait3A_32 = arith.constant 0 : i32
      %dma_wait3A_33 = tpu.memref_slice %arg6[%dma_wait3A_30, %mul3A_17, %dma_wait3A_31, %dma_wait3A_32] : memref<4x128x8x128xf32, #tpu.memory_space<hbm>> -> memref<4x4x8x128xf32, #tpu.memory_space<hbm>>
      tpu.wait_dma2 semaphore(%run_scoped3A : memref<!tpu.dma_semaphore, #tpu.memory_space<semaphore_mem>>) src(%arg8 : memref<4x4x8x128xf32, #tpu.memory_space<vmem>>) dst(%dma_wait3A_33 : memref<4x4x8x128xf32, #tpu.memory_space<hbm>>)
      tpu.yield
    }) : () -> ()
    return
  }
}

</mosaic_0001>

<sc_bundles>
// kernel: _run.3.cloned.1.call-start
scs
__scs_entry_jumppad:
0x0: {  	(pc) =	sbr.rel $0x88, $3  }
0x1: {  	(tag) =	ssettag $0x0;
	lr =	simm.s32 $0x1  }
0x2: {  	[smem:$0x3F9D] =	sst lr;
	_ =	strace $0xD0000000  }
0x3: {  	_ = 	snop  }
0x4: {  	_ = 	snop  }
0x5: {  	_ = 	snop  }
0x6: {  	_ = 	snop  }
0x7: {  	_ = 	snop  }
__scs_overlays_trampoline_lowered:
0x8: {  	[smem:$0x3FAC] =	sst s0  }
0x9: {  	[smem:$0x3FAD] =	sst s1  }
0xa: {  	[smem:$0x3FAE] =	sst s2  }
0xb: {  	[smem:$0x3FAF] =	sst s3  }
0xc: {  	[smem:$0x3FB0] =	sst s4  }
0xd: {  	[smem:$0x3FB1] =	sst s5  }
0xe: {  	[smem:$0x3FB2] =	sst s6  }
0xf: {  	[smem:$0x3FB3] =	sst s7  }
0x10: {  	[smem:$0x3FB4] =	sst s8  }
0x11: {  	[smem:$0x3FB5] =	sst s9;
	s0 =	simm.s32 @!p0 $0x0  }
0x12: {  	s1 =	sld [smem:$0x3F9B];
	s0 =	simm.s32 @p0 $0x1  }
0x13: {  	[smem:$0x3FB6] =	sst s0;
	s0 =	simm.s32 @!p1 $0x0  }
0x14: {  	s2 =	sld [smem:$0x3F9A];
	s0 =	simm.s32 @p1 $0x1  }
0x15: {  	[smem:$0x3FB7] =	sst s0;
	s0 =	simm.s32 @!p2 $0x0  }
0x16: {  	s3 =	sld [smem:$0x3FDB];
	s0 =	simm.s32 @p2 $0x1  }
0x17: {  	s4 =	simm.s32 $0x1BF5;
	[smem:$0x3FB9] =	sst s0  }
0x18: {  	s0 =	sld [smem:$0x3F9C];
	_ =	swait.ge [sflag:s4], $0x0  }
0x19: {  	s7 =	sld [smem:$0x3F9D]  }
0x1a: {  	s8 =	sadd.s32 $0xFFFFE003, lr  }
0x1b: {  	s9 =	sadd.s32 $0xFFFFFEF7, lr;
	s5 =	simm.s32 $0xFFFFFFFF;
	p2 =	slt.u32 s8, $0xFFFFF086  }
0x1c: {  	p1 =	slt.u32 s9, $0xF7A;
	s5 =	simm.s32 @!p2 $0x0  }
0x1d: {  	s5 =	simm.s32 @p1 $0x1;
	p0 =	seq.s32 s7, s2  }
0x1e: {  	s7 =	smul.u32 @!p0 $0xF7A, s2;
	p2 =	seq.s32 @!p0 s5, $0x0  }
0x1f: {  	s9 =	smul.u32 $0xF7A, s1;
	s8 =	simm.s32 @!p0 $0x1BF5;
	p2 =	por !p2, p0  }
0x20: {  	[sflag:s8] =	ssyncset.s32 @!p0 $0xFFFFF086;
	s6 =	sadd.s32 @!p0 s3, s7;
	s7 =	simm.s32 @!p0 $0x108  }
0x21: {  	s3 =	sadd.s32 s3, s9;
	s6 =	sadd.s32 @!p0 $0x88, s6;
	s7 =	simm.s32 @p2 $0x1082  }
0x22: {  	[simem:s7], [sflag:s8] =	dma.local @!p0 [hbm:s6], $0xF7A  }
0x23: {  	s9 =	sor.u32 $0xD0000000, s2;
	s6 =	simm.s32 $0x108;
	_ =	swait.ge @!p0 [sflag:s8], $0x0  }
0x24: {  	s3 =	sadd.s32 $0x88, s3;
	s6 =	simm.s32 @!p1 $0x1082;
	[sflag:s4] =	ssyncset.s32 $0xFFFFF086  }
0x25: {  	[simem:s6], [sflag:s4] =	dma.local [hbm:s3], $0xF7A  }
0x26: {  	[smem:$0x3F9D] =	sst s1;
	(tag) =	ssettag s2;
	_ =	strace s9  }
0x27: {  	s1 =	sld [smem:$0x3FAD]  }
0x28: {  	s2 =	sld [smem:$0x3FAE]  }
0x29: {  	s4 =	sld [smem:$0x3FB0]  }
0x2a: {  	p0 =	seq.s32 s5, $0x0;
	s5 =	sld [smem:$0x3FB1]  }
0x2b: {  	s6 =	sld [smem:$0x3FB2]  }
0x2c: {  	s7 =	sld [smem:$0x3FB3]  }
0x2d: {  	s3 =	simm.s32 $0x108;
	s8 =	sld [smem:$0x3FB4]  }
0x2e: {  	s3 =	simm.s32 @!p0 $0x1082;
	s9 =	sld [smem:$0x3FB5]  }
0x2f: {  	lr =	sadd.s32 s0, s3;
	s0 =	sld [smem:$0x3FAC]  }
0x30: {  	s3 =	sld [smem:$0x3FAF]  }
0x31: {  	[smem:$0x3FB8] =	sst s10  }
0x32: {  	s10 =	sld [smem:$0x3FB6];
	_ =	sdelay $0x3  }
0x33: {  	p0 =	seq.s32 s10, $0x1;
	s10 =	sld [smem:$0x3FB8];
	_ =	sdelay $0x3  }
0x34: {  	[smem:$0x3FB8] =	sst s10  }
0x35: {  	s10 =	sld [smem:$0x3FB7];
	_ =	sdelay $0x3  }
0x36: {  	p1 =	seq.s32 s10, $0x1;
	s10 =	sld [smem:$0x3FB8];
	_ =	sdelay $0x3  }
0x37: {  	[smem:$0x3FB8] =	sst s10  }
0x38: {  	s10 =	sld [smem:$0x3FB9]  }
0x39: {  	_ = 	snop;
	(pc) =	sbr.ind lr, $3  }
0x3a: {  	_ = 	snop  }
0x3b: {  	_ = 	snop  }
0x3c: {  	p2 =	seq.s32 s10, $0x1;
	s10 =	sld [smem:$0x3FB8]  }
0x3d: {  	_ =	shalt  }
0x3e: {  	_ =	shalt  }
0x3f: {  	_ =	shalt  }
0x40: {  	_ =	shalt  }
0x41: {  	_ =	shalt  }
0x42: {  	_ =	shalt  }
0x43: {  	_ =	shalt  }
0x44: {  	_ =	shalt  }
0x45: {  	_ =	shalt  }
0x46: {  	_ =	shalt  }
0x47: {  	_ =	shalt  }
0x48: {  	_ =	shalt  }
0x49: {  	_ =	shalt  }
0x4a: {  	_ =	shalt  }
0x4b: {  	_ =	shalt  }
0x4c: {  	_ =	shalt  }
0x4d: {  	_ =	shalt  }
0x4e: {  	_ =	shalt  }
0x4f: {  	_ =	shalt  }
0x50: {  	_ =	shalt  }
0x51: {  	_ =	shalt  }
0x52: {  	_ =	shalt  }
0x53: {  	_ =	shalt  }
0x54: {  	_ =	shalt  }
0x55: {  	_ =	shalt  }
0x56: {  	_ =	shalt  }
0x57: {  	_ =	shalt  }
0x58: {  	_ =	shalt  }
0x59: {  	_ =	shalt  }
0x5a: {  	_ =	shalt  }
0x5b: {  	_ =	shalt  }
0x5c: {  	_ =	shalt  }
0x5d: {  	_ =	shalt  }
0x5e: {  	_ =	shalt  }
0x5f: {  	_ =	shalt  }
0x60: {  	_ =	shalt  }
0x61: {  	_ =	shalt  }
0x62: {  	_ =	shalt  }
0x63: {  	_ =	shalt  }
0x64: {  	_ =	shalt  }
0x65: {  	_ =	shalt  }
0x66: {  	_ =	shalt  }
0x67: {  	_ =	shalt  }
0x68: {  	_ =	shalt  }
0x69: {  	_ =	shalt  }
0x6a: {  	_ =	shalt  }
0x6b: {  	_ =	shalt  }
0x6c: {  	_ =	shalt  }
0x6d: {  	_ =	shalt  }
0x6e: {  	_ =	shalt  }
0x6f: {  	_ =	shalt  }
0x70: {  	_ =	shalt  }
0x71: {  	_ =	shalt  }
0x72: {  	_ =	shalt  }
0x73: {  	_ =	shalt  }
0x74: {  	_ =	shalt  }
0x75: {  	_ =	shalt  }
0x76: {  	_ =	shalt  }
0x77: {  	_ =	shalt  }
0x78: {  	_ =	shalt  }
0x79: {  	_ =	shalt  }
0x7a: {  	_ =	shalt  }
0x7b: {  	_ =	shalt  }
0x7c: {  	_ =	shalt  }
0x7d: {  	_ =	shalt  }
0x7e: {  	_ =	shalt  }
0x7f: {  	_ =	shalt  }
0x80: {  	_ =	shalt  }
0x81: {  	_ =	shalt  }
0x82: {  	_ =	shalt  }
0x83: {  	_ =	shalt  }
0x84: {  	_ =	shalt  }
0x85: {  	_ =	shalt  }
0x86: {  	_ =	shalt  }
0x87: {  	_ =	shalt  }
.Lfunc_end0:
.L_simem_size_0:
called_computation_lowered:
.L_overlay_start_0:
0x88: {  	s2 =	sld [smem:$0x3FD9]  }
0x89: {  	s3 =	sld [smem:$0x3FFE];
	_ =	sdelay $0x1  }
0x8a: {  	s1 =	srdreg.scid  }
0x8b: {  	s0 =	sand.u32 $0x1, s1  }
0x8c: {  	s18 =	sshll.u32 s0, $0xA;
	s2 =	sadd.s32 s3, s2  }
0x8d: {  	s2 =	sadd.s32 s2, s18  }
0x8e: {  	[smem:$0x3FC4] =	sst s2  }
0x8f: {  	_ = 	snop  }
0x90: {  	s2 =	sld [smem:$0x3FC9]  }
0x91: {  	s19 =	sld [smem:$0x3FC8]  }
0x92: {  	s4 =	sld [smem:$0x3FC7]  }
0x93: {  	s5 =	sld [smem:$0x3FC6]  }
0x94: {  	s6 =	sld [smem:$0x3FD0];
	(tm) =	ssettm $0x1  }
0x95: {  	s7 =	sld [smem:$0x3FFB];
	_ =	sdelay $0x3  }
0x96: {  	_ =	strace s7  }
0x97: {  	s7 =	sld [smem:$0x3FFC];
	_ =	sdelay $0x3  }
0x98: {  	_ =	strace s7  }
0x99: {  	s7 =	sld [smem:$0x3FFD];
	_ =	sdelay $0x3  }
0x9a: {  	_ =	strace s7  }
0x9b: {  	_ =	strace $0x8FFFFFFF  }
0x9c: {  	s20 =	sld [smem:$0x3FDB];
	_ =	sdelay $0x1  }
0x9d: {  	s8 =	simm.s32 $_scs_section_size  }
0x9e: {  	s9 =	simm.s32 $_size__tile_overlayer_lowered;
	s10 =	simm.s32 $_tile_overlayer_lowered  }
0x9f: {  	s23 =	simm.s32 $0x1BFF;
	s22 =	sshll.u32 s10, $0x1;
	s7 =	sadd.s32 s8, s20  }
0xa0: {  	s11 =	simm.s32 $0x0;
	s21 =	sshll.u32 s9, $0x1;
	s9 =	sadd.s32 s22, s7  }
0xa1: {  	[timem:s11], [sflag:s23] =	dma.local [hbm:s9], s21  }
0xa2: {  	_ =	swait.ge [sflag:s23], s21  }
0xa3: {  	s8 =	ssub.s32 $0x0, s21;
	[sflag:s23] =	ssyncset.done $0x0  }
0xa4: {  	[sflag:s23] =	ssyncadd.s32 s8;
	_ =	sdelay $0x1  }
0xa5: {  	s24 =	simm.s32 $0x1B8B  }
0xa6: {  	_ =	swait.ge [sflag:s24], $0x1  }
0xa7: {  	[sflag:s24] =	ssyncset.done $0x0  }
0xa8: {  	s25 =	simm.s32 $0x1B8E;
	[sflag:s24] =	ssyncadd.s32 $0xFFFFFFFF  }
0xa9: {  	s26 =	simm.s32 $execute0_lowered;
	[smem:$0x3FD2] =	sst s25  }
0xaa: {  	s8 =	sshll.u32 s26, $0x1;
	_ =	strace $0x80000046;
	[dreg:$0x1] =	wrdreg $0xFFFFFFFF  }
0xab: {  	s28 =	simm.s32 $_size_execute0_lowered;
	s7 =	sadd.s32 s7, s8;
	[dreg:$0x0] =	wrdreg $0x0  }
0xac: {  	s8 =	sshll.u32 s28, $0x1;
	[dreg:$0x2] =	wrdreg s7  }
0xad: {  	[dreg:$0x3] =	wrdreg s8  }
0xae: {  	[dreg:$0x4] =	wrdreg $0xC0  }
0xaf: {  	_ =	task [dreg:s11], $0x5FFFF  }
0xb0: {  	[dreg:$0x1] =	wrdreg $0xFFFFFFFF  }
0xb1: {  	[dreg:$0x0] =	wrdreg $0x60  }
0xb2: {  	[dreg:$0x2] =	wrdreg s2  }
0xb3: {  	[dreg:$0x3] =	wrdreg s19  }
0xb4: {  	[dreg:$0x4] =	wrdreg s4  }
0xb5: {  	[dreg:$0x5] =	wrdreg s5  }
0xb6: {  	[dreg:$0x6] =	wrdreg s6  }
0xb7: {  	[dreg:$0x7] =	wrdreg $0x9  }
0xb8: {  	_ =	task.clear_ibuf [dreg:s11], $0x8FFFF;
	_ =	strace $0x90000046  }
0xb9: {  	s29 =	simm.s32 $0x9;
	_ =	strace $0x80000048  }
0xba: {  	_ =	swait.ge [sflag:s29], $0x1  }
0xbb: {  	[sflag:s29] =	ssyncadd.s32 $0xFFFFFFFF  }
0xbc: {  	_ =	strace $0x90000048  }
0xbd: {  	_ =	sfence  }
0xbe: {  	s30 =	sld [smem:$0x0];
	_ =	sdelay $0x2  }
0xbf: {  	s31 =	sshll.u32 s1, $0xD;
	s1 =	sshrl.u32 s1, $0x2  }
0xc0: {  	s3 =	sand.u32 $0x4000, s31;
	s1 =	sadd.s32 s1, s30  }
0xc1: {  	s0 =	sor.u32 s3, s0;
	s1 =	sshll.u32 s1, $0x11  }
0xc2: {  	s0 =	sor.u32 s1, s0  }
0xc3: {  	s0 =	sadd.s32 $0x8F2B, s0  }
0xc4: {  	[sflag:s0] =	ssyncadd.remote.s32 $0x1  }
0xc5: {  	_ =	sfence.sel $0xFFFF  }
0xc6: {  	[dreg:$0x0] =	wrdreg $0xFFFFFFFF;
	(pc) =	sbr.abs _section_cstart, $3  }
0xc7: {  	[dreg:$0x1] =	wrdreg $0xFFFFFFFF  }
0xc8: {  	_ =	task.clear_ibuf [dreg:s11], $0x2FFFF;
	_ =	strace $0x9FFFFFFF  }
0xc9: {  	(tm) =	ssettm $0x7FFFFFFF  }
tec
execute0_lowered:
.L_overlay_start_1:
0x0: {  	(tag) =	ssettag $0x1  }
0x1: {  	s6 =	rddreg [dreg:$0x0]  }
0x2: {  	s1 =	rddreg [dreg:$0x1]  }
0x3: {  	s2 =	rddreg [dreg:$0x2]  }
0x4: {  	s3 =	rddreg [dreg:$0x3]  }
0x5: {  	s7 =	rddreg [dreg:$0x4]  }
0x6: {  	s0 =	rddreg [dreg:$0x5];
	s8 =	srdreg.scid  }
0x7: {  	s5 =	simm.s32 $0x0;
	s4 =	stileid.u32;
	s12 =	simm.s32 $0x2  }
0x8: {  	s13 =	simm.s32 $0x8700;
	s14 =	simm.s32 $0x8780;
	s15 =	simm.s32 $0x1  }
0x9: {  	s16 =	simm.s32 $0x8380;
	s17 =	simm.s32 $0x4000;
	s18 =	simm.s32 $0x0  }
0xa: {  	s8 =	sand.u32 $0x1, s8;
	s10 =	sshll.u32 s4, $0xA;
	[smem:$0x7FF] =	sst s5  }
0xb: {  	s9 =	ssub.s32 $0x2, s8;
	s8 =	sshll.u32 s8, $0x9;
	_ =	strace $0x80000047  }
0xc: {  	s11 =	sshrl.u32 s9, $0x1;
	s8 =	sor.u32 s8, s10;
	s10 =	simm.s32 $0x20000  }
0xd: {  	s9 =	ssub.s32 s9, s11;
	s6 =	sadd.s32 s6, s8;
	s7 =	sadd.s32 s7, s8  }
0xe: {  	s11 =	simm.s32 $0x8000;
	s8 =	smax.u32 s9, $0x1;
	s9 =	simm.s32 $0x1000  }
.LBB2_1:
0xf: {  	[tilespmem:s5], [sflag:$0x1] =	stream.strided.gather [hbm4b:s6+s9], $0x4000, s10, s9, $0x38;
	[tilespmem:$0x8800] =	vst v63  }
0x10: {  	_ = 	snop  }
0x11: {  	[tilespmem:s11], [sflag:$0x2] =	stream.linear.gather [hbm4b:s1+s5], $0x380, $0x38;
	[tilespmem:$0x8800] =	vst v63  }
0x12: {  	_ =	swait.ge [sflag:s12], $0x380  }
0x13: {  	[sflag:s12] =	ssyncset.done $0x0  }
0x14: {  	v0 =	vmov s5;
	[sflag:s12] =	ssyncadd.s32 $0xFFFFFC80  }
0x15: {  	v0 =	vshrl.u32 v0, $0x5;
	[tilespmem:s13], [sflag:$0x2] =	stream.linear.gather [hbm4b:s2+s5], $0x1A, $0x38;
	[tilespmem:$0x8800] =	vst v63  }
0x16: {  	v0 =	vand.u32 $0x7FFFFFE, v0;
	_ =	swait.ge [sflag:s12], $0x1A  }
0x17: {  	v0 =	vbroadcast v0, $0x0;
	[sflag:s12] =	ssyncset.done $0x0  }
0x18: {  	[sflag:s12] =	ssyncadd.s32 $0xFFFFFFE6  }
0x19: {  	[tilespmem:s14], [sflag:$0x2] =	stream.linear.gather [hbm4b:s3+s5], $0x1A, $0x38;
	[tilespmem:$0x8800] =	vst v63  }
0x1a: {  	_ =	swait.ge [sflag:s12], $0x1A  }
0x1b: {  	[sflag:s12] =	ssyncset.done $0x0  }
0x1c: {  	[sflag:s12] =	ssyncadd.s32 $0xFFFFFFE6  }
0x1d: {  	v1 =	vld.idx.msk [tilespmem:v0+s14+$0x0], $0xffff;
	_ =	sdelay $0x4  }
0x1e: {  	(erf) = vrcp.f32 v1;
	_ =	sdelay $0x1  }
0x1f: {  	s20 =	simm.s32 $0x8020;
	v0 =	vld.idx.msk [tilespmem:v0+s13+$0x0], $0xffff  }
0x20: {  	v1 =	vld [tilespmem:s20+$0xFFFFFFE0]  }
0x21: {  	s19 =	simm.s32 $0x10  }
0x22: {  	v2 =	vmov s19  }
0x23: {  	v2 =	vshrl.u32 v2, $0x5  }
0x24: {  	v2 =	vbroadcast v2, $0x0  }
0x25: {  	v0 =	vsub.f32 v1, v0  }
0x26: {  	v1 =	vpop (erf)  }
0x27: {  	v0 =	vmul.f32 v0, v1  }
0x28: {  	s19 =	simm.s32 $0x83A0  }
0x29: {  	[tilespmem:s19+$0xFFFFFFE0] =	vst v0  }
0x2a: {  	v0 =	vld.idx.msk [tilespmem:v2+s14+$0x0], $0xffff;
	_ =	sdelay $0x4  }
0x2b: {  	(erf) = vrcp.f32 v0;
	_ =	sdelay $0x1  }
0x2c: {  	v1 =	vld [tilespmem:s20+$0xFFFFFFF0]  }
0x2d: {  	v0 =	vld.idx.msk [tilespmem:v2+s13+$0x0], $0xffff  }
0x2e: {  	s21 =	simm.s32 $0x20  }
0x2f: {  	v2 =	vmov s21  }
0x30: {  	v2 =	vshrl.u32 v2, $0x5  }
0x31: {  	v2 =	vbroadcast v2, $0x0  }
0x32: {  	v0 =	vsub.f32 v1, v0  }
0x33: {  	v1 =	vpop (erf)  }
0x34: {  	v0 =	vmul.f32 v0, v1;
	_ =	sdelay $0x1  }
0x35: {  	[tilespmem:s19+$0xFFFFFFF0] =	vst v0  }
0x36: {  	v0 =	vld.idx.msk [tilespmem:v2+s14+$0x0], $0xffff;
	_ =	sdelay $0x4  }
0x37: {  	(erf) = vrcp.f32 v0;
	_ =	sdelay $0x1  }
0x38: {  	v1 =	vld [tilespmem:s20+$0x0]  }
0x39: {  	v0 =	vld.idx.msk [tilespmem:v2+s13+$0x0], $0xffff  }
0x3a: {  	s31 =	simm.s32 $0x30  }
0x3b: {  	v2 =	vmov s31  }
0x3c: {  	v2 =	vshrl.u32 v2, $0x5  }
0x3d: {  	v2 =	vbroadcast v2, $0x0  }
0x3e: {  	v0 =	vsub.f32 v1, v0  }
0x3f: {  	v1 =	vpop (erf)  }
0x40: {  	v0 =	vmul.f32 v0, v1;
	_ =	sdelay $0x1  }
0x41: {  	[tilespmem:s19+$0x0] =	vst v0  }
0x42: {  	v0 =	vld.idx.msk [tilespmem:v2+s14+$0x0], $0xffff;
	_ =	sdelay $0x4  }
0x43: {  	v1 =	vld [tilespmem:s20+$0x10];
	(erf) = vrcp.f32 v0  }
0x44: {  	v0 =	vld.idx.msk [tilespmem:v2+s13+$0x0], $0xffff;
	_ =	sdelay $0x1  }
0x45: {  	s21 =	simm.s32 $0x40  }
0x46: {  	v2 =	vmov s21  }
0x47: {  	v2 =	vshrl.u32 v2, $0x5  }
0x48: {  	v1 =	vsub.f32 v1, v0;
	v0 =	vand.u32 $0x7FFFFFE, v2  }
0x49: {  	v0 =	vbroadcast v0, $0x0;
	_ =	sdelay $0x1  }
0x4a: {  	v2 =	vpop (erf)  }
0x4b: {  	s22 =	simm.s32 $0x4;
	v1 =	vmul.f32 v1, v2  }
.LBB2_2:
0x4c: {  	_ = 	snop  }
0x4d: {  	s22 =	sadd.s32 $0x4, s22;
	s20 =	sadd.s32 $0x40, s20;
	[tilespmem:s19+$0x10] =	vst v1;
	s19 =	sadd.s32 $0x40, s19  }
0x4e: {  	p0 =	slt.u32 s22, $0x30;
	v1 =	vld.idx.msk [tilespmem:v0+s14+$0x0], $0xffff;
	_ =	sdelay $0x5  }
0x4f: {  	(erf) = vrcp.f32 v1;
	_ =	sdelay $0x1  }
0x50: {  	v0 =	vld.idx.msk [tilespmem:v0+s13+$0x0], $0xffff  }
0x51: {  	v1 =	vld [tilespmem:s20+$0xFFFFFFE0]  }
0x52: {  	s23 =	sadd.s32 $0x10, s21  }
0x53: {  	v2 =	vmov s23  }
0x54: {  	v2 =	vshrl.u32 v2, $0x5  }
0x55: {  	v2 =	vbroadcast v2, $0x0  }
0x56: {  	v0 =	vsub.f32 v1, v0  }
0x57: {  	v1 =	vpop (erf)  }
0x58: {  	v0 =	vmul.f32 v0, v1;
	_ =	sdelay $0x1  }
0x59: {  	[tilespmem:s19+$0xFFFFFFE0] =	vst v0  }
0x5a: {  	v0 =	vld.idx.msk [tilespmem:v2+s14+$0x0], $0xffff;
	_ =	sdelay $0x5  }
0x5b: {  	(erf) = vrcp.f32 v0;
	_ =	sdelay $0x1  }
0x5c: {  	v0 =	vld.idx.msk [tilespmem:v2+s13+$0x0], $0xffff  }
0x5d: {  	v1 =	vld [tilespmem:s20+$0xFFFFFFF0]  }
0x5e: {  	s23 =	sadd.s32 $0x20, s21  }
0x5f: {  	v2 =	vmov s23  }
0x60: {  	v2 =	vshrl.u32 v2, $0x5  }
0x61: {  	v2 =	vbroadcast v2, $0x0  }
0x62: {  	v0 =	vsub.f32 v1, v0  }
0x63: {  	v1 =	vpop (erf)  }
0x64: {  	v0 =	vmul.f32 v0, v1;
	_ =	sdelay $0x1  }
0x65: {  	[tilespmem:s19+$0xFFFFFFF0] =	vst v0  }
0x66: {  	v0 =	vld.idx.msk [tilespmem:v2+s14+$0x0], $0xffff;
	_ =	sdelay $0x5  }
0x67: {  	(erf) = vrcp.f32 v0;
	_ =	sdelay $0x1  }
0x68: {  	v0 =	vld.idx.msk [tilespmem:v2+s13+$0x0], $0xffff  }
0x69: {  	v1 =	vld [tilespmem:s20+$0x0]  }
0x6a: {  	s23 =	sadd.s32 $0x30, s21  }
0x6b: {  	v2 =	vmov s23  }
0x6c: {  	v2 =	vshrl.u32 v2, $0x5  }
0x6d: {  	v2 =	vbroadcast v2, $0x0  }
0x6e: {  	v0 =	vsub.f32 v1, v0  }
0x6f: {  	v1 =	vpop (erf)  }
0x70: {  	v0 =	vmul.f32 v0, v1;
	_ =	sdelay $0x1  }
0x71: {  	[tilespmem:s19+$0x0] =	vst v0  }
0x72: {  	v0 =	vld.idx.msk [tilespmem:v2+s14+$0x0], $0xffff  }
0x73: {  	v1 =	vld.idx.msk [tilespmem:v2+s13+$0x0], $0xffff  }
0x74: {  	v2 =	vld [tilespmem:s20+$0x10];
	_ =	sdelay $0x3  }
0x75: {  	(erf) = vrcp.f32 v0;
	_ =	sdelay $0x2  }
0x76: {  	s21 =	sadd.s32 $0x40, s21  }
0x77: {  	v0 =	vmov s21  }
0x78: {  	v0 =	vshrl.u32 v0, $0x5  }
.Ltmp0:
0x79: {  	v0 =	vand.u32 $0x7FFFFFE, v0;
	(pc) =	sbr.rel @p0 .LBB2_2-.Ltmp0, $4  }
0x7a: {  	v0 =	vbroadcast v0, $0x0  }
0x7b: {  	v1 =	vsub.f32 v2, v1  }
0x7c: {  	v2 =	vpop (erf)  }
0x7d: {  	v1 =	vmul.f32 v1, v2  }
0x7e: {  	_ =	sdelay $0x2  }
0x7f: {  	[tilespmem:s19+$0x10] =	vst v1  }
0x80: {  	v1 =	vld.idx.msk [tilespmem:v0+s14+$0x0], $0xffff;
	_ =	sdelay $0x4  }
0x81: {  	(erf) = vrcp.f32 v1;
	_ =	sdelay $0x1  }
0x82: {  	s20 =	sadd.s32 $0x40, s20;
	v0 =	vld.idx.msk [tilespmem:v0+s13+$0x0], $0xffff  }
0x83: {  	v1 =	vld [tilespmem:s20+$0xFFFFFFE0]  }
0x84: {  	s22 =	sadd.s32 $0x10, s21  }
0x85: {  	v2 =	vmov s22  }
0x86: {  	v2 =	vshrl.u32 v2, $0x5  }
0x87: {  	v2 =	vbroadcast v2, $0x0  }
0x88: {  	v0 =	vsub.f32 v1, v0  }
0x89: {  	v1 =	vpop (erf)  }
0x8a: {  	v0 =	vmul.f32 v0, v1  }
0x8b: {  	s23 =	sadd.s32 $0x40, s19  }
0x8c: {  	[tilespmem:s23+$0xFFFFFFE0] =	vst v0  }
0x8d: {  	v0 =	vld.idx.msk [tilespmem:v2+s14+$0x0], $0xffff;
	_ =	sdelay $0x4  }
0x8e: {  	(erf) = vrcp.f32 v0;
	_ =	sdelay $0x1  }
0x8f: {  	v1 =	vld [tilespmem:s20+$0xFFFFFFF0]  }
0x90: {  	v0 =	vld.idx.msk [tilespmem:v2+s13+$0x0], $0xffff  }
0x91: {  	s24 =	sadd.s32 $0x20, s21  }
0x92: {  	v2 =	vmov s24  }
0x93: {  	v2 =	vshrl.u32 v2, $0x5  }
0x94: {  	v2 =	vbroadcast v2, $0x0  }
0x95: {  	v0 =	vsub.f32 v1, v0  }
0x96: {  	v1 =	vpop (erf)  }
0x97: {  	v0 =	vmul.f32 v0, v1;
	_ =	sdelay $0x1  }
0x98: {  	[tilespmem:s23+$0xFFFFFFF0] =	vst v0  }
0x99: {  	v0 =	vld.idx.msk [tilespmem:v2+s14+$0x0], $0xffff;
	_ =	sdelay $0x4  }
0x9a: {  	(erf) = vrcp.f32 v0;
	_ =	sdelay $0x1  }
0x9b: {  	v1 =	vld [tilespmem:s20+$0x0]  }
0x9c: {  	v0 =	vld.idx.msk [tilespmem:v2+s13+$0x0], $0xffff  }
0x9d: {  	s25 =	sadd.s32 $0x30, s21  }
0x9e: {  	v2 =	vmov s25  }
0x9f: {  	v2 =	vshrl.u32 v2, $0x5  }
0xa0: {  	v2 =	vbroadcast v2, $0x0  }
0xa1: {  	v0 =	vsub.f32 v1, v0  }
0xa2: {  	v1 =	vpop (erf)  }
0xa3: {  	v0 =	vmul.f32 v0, v1;
	_ =	sdelay $0x1  }
0xa4: {  	[tilespmem:s23+$0x0] =	vst v0  }
0xa5: {  	v0 =	vld.idx.msk [tilespmem:v2+s14+$0x0], $0xffff;
	_ =	sdelay $0x4  }
0xa6: {  	(erf) = vrcp.f32 v0;
	_ =	sdelay $0x1  }
0xa7: {  	v1 =	vld [tilespmem:s20+$0x10]  }
0xa8: {  	v0 =	vld.idx.msk [tilespmem:v2+s13+$0x0], $0xffff;
	_ =	sdelay $0x4  }
0xa9: {  	v0 =	vsub.f32 v1, v0  }
0xaa: {  	v1 =	vpop (erf)  }
0xab: {  	v0 =	vmul.f32 v0, v1;
	_ =	sdelay $0x1  }
0xac: {  	s26 =	simm.s32 $0x0;
	s28 =	simm.s32 $0x0;
	[tilespmem:s23+$0x10] =	vst v0  }
0xad: {  	s29 =	sand.u32 $0x3000, s26;
	s20 =	sand.u32 $0xC00, s28;
	_ =	swait.ge [sflag:s15], $0x4000  }
0xae: {  	s19 =	sand.u32 $0x380, s26;
	s20 =	sor.u32 s20, s29;
	[sflag:s15] =	ssyncset.done $0x0  }
0xaf: {  	s19 =	sor.u32 s19, s20;
	[sflag:s15] =	ssyncadd.s32 $0xFFFFC000  }
0xb0: {  	v0 =	vld [tilespmem:s19+$0x70]  }
0xb1: {  	v1 =	vld [tilespmem:s19+$0x0]  }
0xb2: {  	v2 =	vld [tilespmem:s19+$0x10]  }
0xb3: {  	v5 =	vld [tilespmem:s19+$0x40]  }
0xb4: {  	s31 =	simm.s32 $0x400;
	s21 =	simm.s32 $0x80;
	v3 =	vld [tilespmem:s19+$0x20]  }
0xb5: {  	s22 =	simm.s32 $0x20;
	s20 =	sand.u32 $0xC00, s31;
	s23 =	sand.u32 $0x3000, s21;
	v4 =	vld [tilespmem:s19+$0x30]  }
0xb6: {  	s30 =	simm.s32 $0x0;
	s25 =	sand.u32 $0x380, s22;
	s20 =	sor.u32 s20, s23;
	v6 =	vld [tilespmem:s19+$0x50]  }
0xb7: {  	s24 =	sand.u32 $0x3E0, s30;
	s20 =	sor.u32 s25, s20;
	v7 =	vld [tilespmem:s19+$0x60]  }
0xb8: {  	v8 =	vld [tilespmem:s20+$0x0];
	v5 =	vadd.s32 s24, v5  }
0xb9: {  	v9 =	vld [tilespmem:s20+$0x10]  }
0xba: {  	v11 =	vld [tilespmem:s20+$0x20];
	v0 =	vadd.s32 s24, v0  }
0xbb: {  	v12 =	vld [tilespmem:s20+$0x30];
	v1 =	vadd.s32 s24, v1  }
0xbc: {  	v13 =	vld [tilespmem:s20+$0x40];
	v2 =	vadd.s32 s24, v2  }
0xbd: {  	v3 =	vadd.s32 s24, v3;
	v10 =	vld.idx.msk [tilespmem:v5+s16+$0x0], $0xffff  }
0xbe: {  	v4 =	vadd.s32 s24, v4;
	v5 =	vld [tilespmem:s20+$0x70]  }
0xbf: {  	v0 =	vld.idx.msk [tilespmem:v0+s16+$0x0], $0xffff  }
0xc0: {  	v1 =	vld.idx.msk [tilespmem:v1+s16+$0x0], $0xffff  }
0xc1: {  	s23 =	simm.s32 $0x8;
	v6 =	vadd.s32 s24, v6;
	v2 =	vld.idx.msk [tilespmem:v2+s16+$0x0], $0xffff  }
0xc2: {  	s25 =	sand.u32 $0x3E0, s23;
	v7 =	vadd.s32 s24, v7;
	v3 =	vld.idx.msk [tilespmem:v3+s16+$0x0], $0xffff  }
0xc3: {  	v4 =	vld.idx.msk [tilespmem:v4+s16+$0x0], $0xffff;
	v14 =	vadd.s32 s25, v5  }
0xc4: {  	v15 =	vld [tilespmem:s20+$0x50];
	[tilespmem:s19+$0x4070] =	vst v0;
	v0 =	vadd.s32 s25, v8  }
0xc5: {  	v9 =	vadd.s32 s25, v9;
	[tilespmem:s19+$0x4000] =	vst v1;
	v5 =	vld [tilespmem:s20+$0x60]  }
0xc6: {  	[tilespmem:s19+$0x4010] =	vst v2;
	v1 =	vld.idx.msk [tilespmem:v6+s16+$0x0], $0xffff;
	v8 =	vadd.s32 s25, v11  }
0xc7: {  	[tilespmem:s19+$0x4020] =	vst v3;
	v2 =	vld.idx.msk [tilespmem:v7+s16+$0x0], $0xffff;
	v7 =	vadd.s32 s25, v12  }
0xc8: {  	[tilespmem:s19+$0x4030] =	vst v4;
	v6 =	vadd.s32 s25, v13;
	v3 =	vld.idx.msk [tilespmem:v14+s16+$0x0], $0xffff  }
0xc9: {  	s24 =	simm.s32 $0x2000;
	[tilespmem:s19+$0x4040] =	vst v10;
	v4 =	vld.idx.msk [tilespmem:v0+s16+$0x0], $0xffff;
	v0 =	vadd.s32 s25, v15  }
.LBB2_4:
0xca: {  	s26 =	sshrl.u32 s24, $0x2;
	v9 =	vld.idx.msk [tilespmem:v9+s16+$0x0], $0xffff;
	v10 =	vadd.s32 s25, v5;
	s21 =	sadd.s32 $0x80, s21  }
0xcb: {  	s22 =	sadd.s32 $0x20, s22;
	s25 =	sand.u32 $0x3000, s21;
	s26 =	sand.u32 $0xC00, s26;
	v5 =	vld.idx.msk [tilespmem:v8+s16+$0x0], $0xffff  }
0xcc: {  	s28 =	sand.u32 $0x380, s22;
	s25 =	sor.u32 s26, s25;
	v7 =	vld.idx.msk [tilespmem:v7+s16+$0x0], $0xffff;
	[tilespmem:s19+$0x4050] =	vst v1  }
0xcd: {  	v1 =	vld.idx.msk [tilespmem:v6+s16+$0x0], $0xffff;
	[tilespmem:s19+$0x4060] =	vst v2;
	s19 =	smov.u32 s20;
	s20 =	sor.u32 s28, s25  }
0xce: {  	v2 =	vld [tilespmem:s20+$0x70];
	[tilespmem:s19+$0x4070] =	vst v3  }
0xcf: {  	v3 =	vld [tilespmem:s20+$0x0];
	[tilespmem:s19+$0x4000] =	vst v4  }
0xd0: {  	v4 =	vld [tilespmem:s20+$0x10];
	[tilespmem:s19+$0x4010] =	vst v9  }
0xd1: {  	s23 =	sadd.s32 $0x8, s23;
	v6 =	vld [tilespmem:s20+$0x20];
	[tilespmem:s19+$0x4020] =	vst v5  }
0xd2: {  	p0 =	slt.u32 s23, $0x338;
	s25 =	sand.u32 $0x3E0, s23;
	v11 =	vld [tilespmem:s20+$0x30];
	[tilespmem:s19+$0x4030] =	vst v7  }
0xd3: {  	v12 =	vld [tilespmem:s20+$0x40];
	v13 =	vadd.s32 s25, v2;
	[tilespmem:s19+$0x4040] =	vst v1  }
0xd4: {  	v14 =	vadd.s32 s25, v3;
	v15 =	vld [tilespmem:s20+$0x50]  }
.Ltmp1:
0xd5: {  	v9 =	vadd.s32 s25, v4;
	v5 =	vld [tilespmem:s20+$0x60];
	(pc) =	sbr.rel @p0 .LBB2_4-.Ltmp1, $4  }
0xd6: {  	v8 =	vadd.s32 s25, v6;
	v1 =	vld.idx.msk [tilespmem:v0+s16+$0x0], $0xffff  }
0xd7: {  	v7 =	vadd.s32 s25, v11;
	v2 =	vld.idx.msk [tilespmem:v10+s16+$0x0], $0xffff  }
0xd8: {  	v6 =	vadd.s32 s25, v12;
	v3 =	vld.idx.msk [tilespmem:v13+s16+$0x0], $0xffff  }
0xd9: {  	s24 =	sadd.s32 $0x1000, s24;
	v4 =	vld.idx.msk [tilespmem:v14+s16+$0x0], $0xffff;
	v0 =	vadd.s32 s25, v15  }
0xda: {  	_ =	sdelay $0x3  }
0xdb: {  	v9 =	vld.idx.msk [tilespmem:v9+s16+$0x0], $0xffff;
	v5 =	vadd.s32 s25, v5  }
0xdc: {  	v8 =	vld.idx.msk [tilespmem:v8+s16+$0x0], $0xffff;
	[tilespmem:s19+$0x4050] =	vst v1  }
0xdd: {  	v61 =	vld.idx.msk [tilespmem:v7+s16+$0x0], $0xffff;
	[tilespmem:s19+$0x4060] =	vst v2  }
0xde: {  	v62 =	vld.idx.msk [tilespmem:v6+s16+$0x0], $0xffff;
	[tilespmem:s20+$0x4070] =	vst v3  }
0xdf: {  	v0 =	vld.idx.msk [tilespmem:v0+s16+$0x0], $0xffff;
	[tilespmem:s20+$0x4000] =	vst v4  }
0xe0: {  	[tilespmem:s20+$0x4010] =	vst v9;
	v63 =	vld.idx.msk [tilespmem:v5+s16+$0x0], $0xffff  }
0xe1: {  	[tilespmem:s20+$0x4020] =	vst v8  }
0xe2: {  	[tilespmem:s20+$0x4030] =	vst v61  }
0xe3: {  	s18 =	sadd.s32 $0x1, s18;
	[tilespmem:s20+$0x4040] =	vst v62  }
0xe4: {  	p0 =	sne.s32 s18, s8;
	[tilespmem:s20+$0x4050] =	vst v0  }
.Ltmp2:
0xe5: {  	[tilespmem:s20+$0x4060] =	vst v63;
	(pc) =	sbr.rel @p0 .LBB2_1-.Ltmp2, $4  }
0xe6: {  	[hbm4b:s7+s9] =	stream.strided.scatter [tilespmem:s17], [sflag:$0x2], $0x4000, s10, s9, $0x38;
	[tilespmem:$0x8800] =	vst v63  }
0xe7: {  	_ =	swait.ge [sflag:s12], $0x4000  }
0xe8: {  	[sflag:s12] =	ssyncset.done $0x0  }
0xe9: {  	[sflag:s12] =	ssyncadd.s32 $0xFFFFC000  }
0xea: {  	_ =	sfence.sel $0x180000  }
0xeb: {  	[bflag:$0x0] =	sbarrier.arrive $0xFFFF  }
0xec: {  	p0 =	sne.s32 s4, $0x0;
	_ =	strace $0x90000047  }
0xed: {  	s0 =	sadd.s32 @!p0 $0x100000, s0;
	[bflag:$0x2] =	sbarrier.arrive $0xFFFF  }
0xee: {  	[sflag:s0] =	ssyncadd.tile.s32 @!p0 $0x1;
	_ =	shalt  }
.Lfunc_end2:
_tile_overlayer_lowered:
.L_overlay_start_2:
0xef: {  	(tag) =	ssettag $0x2  }
0xf0: {  	s0 =	rddreg [dreg:$0x0];
	s2 =	stileid.u32  }
0xf1: {  	s1 =	rddreg [dreg:$0x1];
	p0 =	sne.s32 s2, $0x0  }
0xf2: {  	s3 =	rddreg [dreg:$0x2];
	[bflag:$0x3] =	sbarrier.arrive $0xFFFF;
	s2 =	simm.s32 @!p0 $0x1C02  }
0xf3: {  	[timem:s3], [sflag:s2] =	dma.local @!p0 [hbm:s0], s1  }
0xf4: {  	s0 =	simm.s32 @!p0 $0x2  }
0xf5: {  	_ =	swait.ge @!p0 [sflag:s0], s1  }
0xf6: {  	s1 =	ssub.s32 @!p0 $0x0, s1;
	[sflag:s0] =	ssyncset.done @!p0 $0x0  }
0xf7: {  	[sflag:s0] =	ssyncadd.s32 @!p0 s1  }
0xf8: {  	[bflag:$0x3] =	sbarrier.arrive $0xFFFF  }
0xf9: {  	_ =	shalt  }

</sc_bundles>
